<compile_context>
chip_gen: v7x
topology: tpu7x:2x2x1
jax: 0.10.2.dev20260603
libtpu: 0.0.44.dev20260713+nightly
codegen_flags: <defaults>
</compile_context>

<pallas_src>
import functools

import jax
import jax.numpy as jnp
from jax import lax
from jax.experimental import pallas as pl
from jax.experimental.pallas import tpu as pltpu
from jax.experimental.pallas import tpu_sc as plsc

VOCAB = 30000
EMBED = 128
HIDDEN = 1024
MAX_LEN = 2048
B, L = 4, 2048
N_TOK = B * L

_NC, _NS = 2, 16
_NW = _NC * _NS
_TOK_PER_W = N_TOK // _NW
_CHUNK = 128
_NCHUNK = _TOK_PER_W // _CHUNK


def _sc_gather(table, idx2d):
    mesh = plsc.VectorSubcoreMesh(core_axis_name="c", subcore_axis_name="s")

    @functools.partial(
        pl.kernel,
        mesh=mesh,
        out_type=jax.ShapeDtypeStruct((N_TOK, EMBED), jnp.float32),
        scratch_types=[
            pltpu.VMEM((_NCHUNK, _CHUNK), jnp.int32),
            pltpu.VMEM((_TOK_PER_W, EMBED), jnp.float32),
            pltpu.SemaphoreType.DMA,
            pltpu.SemaphoreType.DMA,
            pltpu.SemaphoreType.DMA,
        ],
    )
    def gather_k(table_hbm, idx_hbm, out_hbm, idx_v, rows_v, sg0, sg1, sw):
        wid = lax.axis_index("s") * _NC + lax.axis_index("c")
        base = wid * _TOK_PER_W
        pltpu.sync_copy(idx_hbm.at[pl.ds(wid * _NCHUNK, _NCHUNK)], idx_v)
        g0 = pltpu.async_copy(
            table_hbm.at[idx_v.at[0]], rows_v.at[pl.ds(0, _CHUNK)], sg0)
        g1 = pltpu.async_copy(
            table_hbm.at[idx_v.at[1]], rows_v.at[pl.ds(_CHUNK, _CHUNK)], sg1)
        g0.wait()
        w0 = pltpu.async_copy(
            rows_v.at[pl.ds(0, _CHUNK)], out_hbm.at[pl.ds(base, _CHUNK)], sw)
        g1.wait()
        w1 = pltpu.async_copy(
            rows_v.at[pl.ds(_CHUNK, _CHUNK)],
            out_hbm.at[pl.ds(base + _CHUNK, _CHUNK)], sw)
        w0.wait()
        w1.wait()

    return gather_k(table, idx2d)


_BLK = 2048
_NLB = L // _BLK


def _tc_body(e_ref, w_ref, b_ref, pos_ref, seg_ref, se_ref, out_ref):
    acc = jnp.dot(e_ref[...], w_ref[...], preferred_element_type=jnp.float32)
    se0 = se_ref[0:1, :]
    base_row = b_ref[...] + se0
    dse = se_ref[1:2, :] - se0
    segf = seg_ref[...].astype(jnp.float32)
    out_ref[...] = (acc + segf * dse) + (pos_ref[...] + base_row)


def _tc_project(e, W, b2d, pos_embed, seg2d, seg_embed):
    grid = (_NLB, B)
    tok = lambda i, j: (j * _NLB + i, 0)
    return pl.pallas_call(
        _tc_body,
        grid=grid,
        in_specs=[
            pl.BlockSpec((_BLK, EMBED), tok),
            pl.BlockSpec((EMBED, HIDDEN), lambda i, j: (0, 0)),
            pl.BlockSpec((1, HIDDEN), lambda i, j: (0, 0)),
            pl.BlockSpec((_BLK, HIDDEN), lambda i, j: (i, 0)),
            pl.BlockSpec((_BLK, 1), tok),
            pl.BlockSpec((2, HIDDEN), lambda i, j: (0, 0)),
        ],
        out_specs=pl.BlockSpec((_BLK, HIDDEN), tok),
        out_shape=jax.ShapeDtypeStruct((N_TOK, HIDDEN), jnp.float32),
        compiler_params=pltpu.CompilerParams(
            dimension_semantics=("parallel", "parallel")),
    )(e, W, b2d, pos_embed, seg2d, seg_embed)


def kernel(x, seg, tok_embed1, W, b, pos_embed, seg_embed):
    idx2d = x.reshape(_NW * _NCHUNK, _CHUNK).astype(jnp.int32)
    e = _sc_gather(tok_embed1, idx2d)
    seg2d = seg.reshape(N_TOK, 1).astype(jnp.int32)
    out = _tc_project(e, W, b.reshape(1, HIDDEN), pos_embed, seg2d, seg_embed)
    return out.reshape(B, L, HIDDEN)

# --- scband reference (transcript-rebuilt; emitter-appended) ---
"""Pipeline reference for scband-albertembeddings-48576080117937 (READ-ONLY COPY).

The authoritative reference and input builder live on the scoring server;
editing this copy changes nothing except your own understanding.
"""

import jax, jax.numpy as jnp
import numpy as np

VOCAB = 30000
EMBED = 128
HIDDEN = 1024
MAX_LEN = 2048
N_SEG = 2
B, L = 4, 2048


def setup_inputs(seed: int = 0) -> dict:
    key = jax.random.key(seed)
    k1, k2, k3, k4, k5, k6, k7 = jax.random.split(key, 7)
    x = jax.random.randint(k1, (B, L), 0, VOCAB, dtype=jnp.int64 if jax.config.jax_enable_x64 else jnp.int32)
    seg = jax.random.randint(k2, (B, L), 0, N_SEG, dtype=jnp.int64 if jax.config.jax_enable_x64 else jnp.int32)
    tok_embed1 = jax.random.normal(k3, (VOCAB, EMBED), dtype=jnp.float32) * 0.02
    W = jax.random.normal(k4, (EMBED, HIDDEN), dtype=jnp.float32) * 0.02
    b = jnp.zeros((HIDDEN,), dtype=jnp.float32)
    pos_embed = jax.random.normal(k5, (MAX_LEN, HIDDEN), dtype=jnp.float32) * 0.02
    seg_embed = jax.random.normal(k6, (N_SEG, HIDDEN), dtype=jnp.float32) * 0.02
    return {"x": x, "seg": seg, "tok_embed1": tok_embed1, "W": W, "b": b,
            "pos_embed": pos_embed, "seg_embed": seg_embed}


def reference(x, seg, tok_embed1, W, b, pos_embed, seg_embed):
    seq_len = x.shape[1]
    pos = jnp.arange(seq_len, dtype=x.dtype)
    pos = jnp.broadcast_to(pos[None, :], x.shape)
    e = jnp.take(tok_embed1, x, axis=0)            # [B, L, EMBED] gather
    e = jnp.dot(e, W) + b                           # factorized projection [B, L, HIDDEN]
    e = e + jnp.take(pos_embed, pos, axis=0) + jnp.take(seg_embed, seg, axis=0)
    return e

if __name__ == "__main__":
    import jax
    _d = setup_inputs()
    print(jax.jit(kernel)(*tuple(_d.values())))

</pallas_src>

<mosaic_0001>
#map = affine_map<(d0, d1) -> (0, 0)>
module attributes {stable_mosaic.version = 14 : i64} {
  func.func @gather_k(%arg0: i32, %arg1: i32, %arg2: memref<30000x128xf32, #tpu.memory_space<hbm>>, %arg3: memref<64x128xi32, #tpu.memory_space<hbm>>, %arg4: memref<8192x128xf32, #tpu.memory_space<hbm>>, %arg5: memref<2x128xi32, #tpu.memory_space<vmem>>, %arg6: memref<256x128xf32, #tpu.memory_space<vmem>>, %arg7: memref<!tpu.dma_semaphore, #tpu.memory_space<semaphore_mem>>, %arg8: memref<!tpu.dma_semaphore, #tpu.memory_space<semaphore_mem>>, %arg9: memref<!tpu.dma_semaphore, #tpu.memory_space<semaphore_mem>>) attributes {dimension_semantics = [#tpu.dimension_semantics<core_parallel>, #tpu.dimension_semantics<subcore_parallel>], iteration_bounds = array<i64: 2, 16>, scalar_prefetch = 0 : i64, scratch_operands = 5 : i64, tpu.core_type = #tpu.core_type<sc_vector_subcore>, window_params = [{transform_indices = #map}, {transform_indices = #map}, {transform_indices = #map}]} {
    %mul3A = arith.constant 2 : i32
    %mul3A_0 = arith.muli %arg1, %mul3A : i32
    %add3A = arith.addi %mul3A_0, %arg0 : i32
    %mul3A_1 = arith.constant 256 : i32
    %mul3A_2 = arith.muli %add3A, %mul3A_1 : i32
    %mul3A_3 = arith.constant 2 : i32
    %mul3A_4 = arith.muli %add3A, %mul3A_3 : i32
    "tpu.region"() ({
      %run_scoped3A = tpu.sem_alloc : memref<!tpu.dma_semaphore, #tpu.memory_space<semaphore_mem>>
      %dma_start3A_85 = arith.constant 0 : i32
      %dma_start3A_86 = tpu.memref_slice %arg3[%mul3A_4, %dma_start3A_85] : memref<64x128xi32, #tpu.memory_space<hbm>> -> memref<2x128xi32, #tpu.memory_space<hbm>>
      %dma_start3A_87 = arith.constant 0 : i32
      %dma_start3A_88 = tpu.memref_slice %arg3[%mul3A_4, %dma_start3A_87] : memref<64x128xi32, #tpu.memory_space<hbm>> -> memref<2x128xi32, #tpu.memory_space<hbm>>
      tpu.enqueue_dma source(%dma_start3A_88 : memref<2x128xi32, #tpu.memory_space<hbm>>) target(%arg5 : memref<2x128xi32, #tpu.memory_space<vmem>>) target_semaphore(%run_scoped3A : memref<!tpu.dma_semaphore, #tpu.memory_space<semaphore_mem>>)
      %dma_wait3A_89 = arith.constant 0 : i32
      %dma_wait3A_90 = tpu.memref_slice %arg3[%mul3A_4, %dma_wait3A_89] : memref<64x128xi32, #tpu.memory_space<hbm>> -> memref<2x128xi32, #tpu.memory_space<hbm>>
      %dma_wait3A_91 = arith.constant 0 : i32
      %dma_wait3A_92 = tpu.memref_slice %arg3[%mul3A_4, %dma_wait3A_91] : memref<64x128xi32, #tpu.memory_space<hbm>> -> memref<2x128xi32, #tpu.memory_space<hbm>>
      tpu.wait_dma2 semaphore(%run_scoped3A : memref<!tpu.dma_semaphore, #tpu.memory_space<semaphore_mem>>) src(%dma_wait3A_92 : memref<2x128xi32, #tpu.memory_space<hbm>>) dst(%arg5 : memref<2x128xi32, #tpu.memory_space<vmem>>)
      tpu.yield
    }) : () -> ()
    %dma_start3A = arith.constant 0 : i32
    %dma_start3A_5 = arith.constant 0 : i32
    %dma_start3A_6 = arith.constant 0 : i32
    %dma_start3A_7 = tpu.memref_slice %arg6[%dma_start3A_5, %dma_start3A_6] : memref<256x128xf32, #tpu.memory_space<vmem>> -> memref<128x128xf32, #tpu.memory_space<vmem>>
    %dma_start3A_8 = arith.constant 0 : i32
    %dma_start3A_9 = tpu.memref_slice %arg5[%dma_start3A, %dma_start3A_8] : memref<2x128xi32, #tpu.memory_space<vmem>> -> memref<1x128xi32, #tpu.memory_space<vmem>>
    %dma_start3A_10 = tpu.memref_squeeze %dma_start3A_9 : memref<1x128xi32, #tpu.memory_space<vmem>> -> memref<128xi32, #tpu.memory_space<vmem>>
    %dma_start3A_11 = arith.constant 0 : i32
    %dma_start3A_12 = arith.constant 0 : i32
    %dma_start3A_13 = tpu.memref_slice %arg2[%dma_start3A_11, %dma_start3A_12] : memref<30000x128xf32, #tpu.memory_space<hbm>> -> memref<30000x128xf32, #tpu.memory_space<hbm>>
    tpu.enqueue_indirect_dma source(%dma_start3A_13 : memref<30000x128xf32, #tpu.memory_space<hbm>>) target(%dma_start3A_7 : memref<128x128xf32, #tpu.memory_space<vmem>>) offsets(%dma_start3A_10 : memref<128xi32, #tpu.memory_space<vmem>>) semaphore(%arg7 : memref<!tpu.dma_semaphore, #tpu.memory_space<semaphore_mem>>)
    %dma_start3A_14 = arith.constant 1 : i32
    %dma_start3A_15 = arith.constant 128 : i32
    %dma_start3A_16 = arith.constant 0 : i32
    %dma_start3A_17 = tpu.memref_slice %arg6[%dma_start3A_15, %dma_start3A_16] : memref<256x128xf32, #tpu.memory_space<vmem>> -> memref<128x128xf32, #tpu.memory_space<vmem>>
    %dma_start3A_18 = arith.constant 0 : i32
    %dma_start3A_19 = tpu.memref_slice %arg5[%dma_start3A_14, %dma_start3A_18] : memref<2x128xi32, #tpu.memory_space<vmem>> -> memref<1x128xi32, #tpu.memory_space<vmem>>
    %dma_start3A_20 = tpu.memref_squeeze %dma_start3A_19 : memref<1x128xi32, #tpu.memory_space<vmem>> -> memref<128xi32, #tpu.memory_space<vmem>>
    %dma_start3A_21 = arith.constant 0 : i32
    %dma_start3A_22 = arith.constant 0 : i32
    %dma_start3A_23 = tpu.memref_slice %arg2[%dma_start3A_21, %dma_start3A_22] : memref<30000x128xf32, #tpu.memory_space<hbm>> -> memref<30000x128xf32, #tpu.memory_space<hbm>>
    tpu.enqueue_indirect_dma source(%dma_start3A_23 : memref<30000x128xf32, #tpu.memory_space<hbm>>) target(%dma_start3A_17 : memref<128x128xf32, #tpu.memory_space<vmem>>) offsets(%dma_start3A_20 : memref<128xi32, #tpu.memory_space<vmem>>) semaphore(%arg8 : memref<!tpu.dma_semaphore, #tpu.memory_space<semaphore_mem>>)
    %dma_wait3A = arith.constant 0 : i32
    %dma_wait3A_24 = arith.constant 0 : i32
    %dma_wait3A_25 = arith.constant 0 : i32
    %dma_wait3A_26 = tpu.memref_slice %arg6[%dma_wait3A_24, %dma_wait3A_25] : memref<256x128xf32, #tpu.memory_space<vmem>> -> memref<128x128xf32, #tpu.memory_space<vmem>>
    %dma_wait3A_27 = arith.constant 0 : i32
    %dma_wait3A_28 = tpu.memref_slice %arg5[%dma_wait3A, %dma_wait3A_27] : memref<2x128xi32, #tpu.memory_space<vmem>> -> memref<1x128xi32, #tpu.memory_space<vmem>>
    %dma_wait3A_29 = tpu.memref_squeeze %dma_wait3A_28 : memref<1x128xi32, #tpu.memory_space<vmem>> -> memref<128xi32, #tpu.memory_space<vmem>>
    %dma_wait3A_30 = arith.constant 0 : i32
    %dma_wait3A_31 = arith.constant 0 : i32
    %dma_wait3A_32 = tpu.memref_slice %arg2[%dma_wait3A_30, %dma_wait3A_31] : memref<30000x128xf32, #tpu.memory_space<hbm>> -> memref<30000x128xf32, #tpu.memory_space<hbm>>
    tpu.wait_indirect_dma semaphore(%arg7 : memref<!tpu.dma_semaphore, #tpu.memory_space<semaphore_mem>>) src(%dma_wait3A_32 : memref<30000x128xf32, #tpu.memory_space<hbm>>) dst(%dma_wait3A_26 : memref<128x128xf32, #tpu.memory_space<vmem>>)
    %dma_start3A_33 = arith.constant 0 : i32
    %dma_start3A_34 = arith.constant 0 : i32
    %dma_start3A_35 = tpu.memref_slice %arg6[%dma_start3A_33, %dma_start3A_34] : memref<256x128xf32, #tpu.memory_space<vmem>> -> memref<128x128xf32, #tpu.memory_space<vmem>>
    %dma_start3A_36 = arith.constant 0 : i32
    %dma_start3A_37 = tpu.memref_slice %arg4[%mul3A_2, %dma_start3A_36] : memref<8192x128xf32, #tpu.memory_space<hbm>> -> memref<128x128xf32, #tpu.memory_space<hbm>>
    %dma_start3A_38 = arith.constant 0 : i32
    %dma_start3A_39 = tpu.memref_slice %arg4[%mul3A_2, %dma_start3A_38] : memref<8192x128xf32, #tpu.memory_space<hbm>> -> memref<128x128xf32, #tpu.memory_space<hbm>>
    %dma_start3A_40 = arith.constant 0 : i32
    %dma_start3A_41 = arith.constant 0 : i32
    %dma_start3A_42 = tpu.memref_slice %arg6[%dma_start3A_40, %dma_start3A_41] : memref<256x128xf32, #tpu.memory_space<vmem>> -> memref<128x128xf32, #tpu.memory_space<vmem>>
    tpu.enqueue_dma source(%dma_start3A_42 : memref<128x128xf32, #tpu.memory_space<vmem>>) target(%dma_start3A_39 : memref<128x128xf32, #tpu.memory_space<hbm>>) target_semaphore(%arg9 : memref<!tpu.dma_semaphore, #tpu.memory_space<semaphore_mem>>)
    %dma_wait3A_43 = arith.constant 1 : i32
    %dma_wait3A_44 = arith.constant 128 : i32
    %dma_wait3A_45 = arith.constant 0 : i32
    %dma_wait3A_46 = tpu.memref_slice %arg6[%dma_wait3A_44, %dma_wait3A_45] : memref<256x128xf32, #tpu.memory_space<vmem>> -> memref<128x128xf32, #tpu.memory_space<vmem>>
    %dma_wait3A_47 = arith.constant 0 : i32
    %dma_wait3A_48 = tpu.memref_slice %arg5[%dma_wait3A_43, %dma_wait3A_47] : memref<2x128xi32, #tpu.memory_space<vmem>> -> memref<1x128xi32, #tpu.memory_space<vmem>>
    %dma_wait3A_49 = tpu.memref_squeeze %dma_wait3A_48 : memref<1x128xi32, #tpu.memory_space<vmem>> -> memref<128xi32, #tpu.memory_space<vmem>>
    %dma_wait3A_50 = arith.constant 0 : i32
    %dma_wait3A_51 = arith.constant 0 : i32
    %dma_wait3A_52 = tpu.memref_slice %arg2[%dma_wait3A_50, %dma_wait3A_51] : memref<30000x128xf32, #tpu.memory_space<hbm>> -> memref<30000x128xf32, #tpu.memory_space<hbm>>
    tpu.wait_indirect_dma semaphore(%arg8 : memref<!tpu.dma_semaphore, #tpu.memory_space<semaphore_mem>>) src(%dma_wait3A_52 : memref<30000x128xf32, #tpu.memory_space<hbm>>) dst(%dma_wait3A_46 : memref<128x128xf32, #tpu.memory_space<vmem>>)
    %add3A_53 = arith.constant 128 : i32
    %add3A_54 = arith.addi %mul3A_2, %add3A_53 : i32
    %dma_start3A_55 = arith.constant 128 : i32
    %dma_start3A_56 = arith.constant 0 : i32
    %dma_start3A_57 = tpu.memref_slice %arg6[%dma_start3A_55, %dma_start3A_56] : memref<256x128xf32, #tpu.memory_space<vmem>> -> memref<128x128xf32, #tpu.memory_space<vmem>>
    %dma_start3A_58 = arith.constant 0 : i32
    %dma_start3A_59 = tpu.memref_slice %arg4[%add3A_54, %dma_start3A_58] : memref<8192x128xf32, #tpu.memory_space<hbm>> -> memref<128x128xf32, #tpu.memory_space<hbm>>
    %dma_start3A_60 = arith.constant 0 : i32
    %dma_start3A_61 = tpu.memref_slice %arg4[%add3A_54, %dma_start3A_60] : memref<8192x128xf32, #tpu.memory_space<hbm>> -> memref<128x128xf32, #tpu.memory_space<hbm>>
    %dma_start3A_62 = arith.constant 128 : i32
    %dma_start3A_63 = arith.constant 0 : i32
    %dma_start3A_64 = tpu.memref_slice %arg6[%dma_start3A_62, %dma_start3A_63] : memref<256x128xf32, #tpu.memory_space<vmem>> -> memref<128x128xf32, #tpu.memory_space<vmem>>
    tpu.enqueue_dma source(%dma_start3A_64 : memref<128x128xf32, #tpu.memory_space<vmem>>) target(%dma_start3A_61 : memref<128x128xf32, #tpu.memory_space<hbm>>) target_semaphore(%arg9 : memref<!tpu.dma_semaphore, #tpu.memory_space<semaphore_mem>>)
    %dma_wait3A_65 = arith.constant 0 : i32
    %dma_wait3A_66 = arith.constant 0 : i32
    %dma_wait3A_67 = tpu.memref_slice %arg6[%dma_wait3A_65, %dma_wait3A_66] : memref<256x128xf32, #tpu.memory_space<vmem>> -> memref<128x128xf32, #tpu.memory_space<vmem>>
    %dma_wait3A_68 = arith.constant 0 : i32
    %dma_wait3A_69 = tpu.memref_slice %arg4[%mul3A_2, %dma_wait3A_68] : memref<8192x128xf32, #tpu.memory_space<hbm>> -> memref<128x128xf32, #tpu.memory_space<hbm>>
    %dma_wait3A_70 = arith.constant 0 : i32
    %dma_wait3A_71 = tpu.memref_slice %arg4[%mul3A_2, %dma_wait3A_70] : memref<8192x128xf32, #tpu.memory_space<hbm>> -> memref<128x128xf32, #tpu.memory_space<hbm>>
    %dma_wait3A_72 = arith.constant 0 : i32
    %dma_wait3A_73 = arith.constant 0 : i32
    %dma_wait3A_74 = tpu.memref_slice %arg6[%dma_wait3A_72, %dma_wait3A_73] : memref<256x128xf32, #tpu.memory_space<vmem>> -> memref<128x128xf32, #tpu.memory_space<vmem>>
    tpu.wait_dma2 semaphore(%arg9 : memref<!tpu.dma_semaphore, #tpu.memory_space<semaphore_mem>>) src(%dma_wait3A_74 : memref<128x128xf32, #tpu.memory_space<vmem>>) dst(%dma_wait3A_71 : memref<128x128xf32, #tpu.memory_space<hbm>>)
    %dma_wait3A_75 = arith.constant 128 : i32
    %dma_wait3A_76 = arith.constant 0 : i32
    %dma_wait3A_77 = tpu.memref_slice %arg6[%dma_wait3A_75, %dma_wait3A_76] : memref<256x128xf32, #tpu.memory_space<vmem>> -> memref<128x128xf32, #tpu.memory_space<vmem>>
    %dma_wait3A_78 = arith.constant 0 : i32
    %dma_wait3A_79 = tpu.memref_slice %arg4[%add3A_54, %dma_wait3A_78] : memref<8192x128xf32, #tpu.memory_space<hbm>> -> memref<128x128xf32, #tpu.memory_space<hbm>>
    %dma_wait3A_80 = arith.constant 0 : i32
    %dma_wait3A_81 = tpu.memref_slice %arg4[%add3A_54, %dma_wait3A_80] : memref<8192x128xf32, #tpu.memory_space<hbm>> -> memref<128x128xf32, #tpu.memory_space<hbm>>
    %dma_wait3A_82 = arith.constant 128 : i32
    %dma_wait3A_83 = arith.constant 0 : i32
    %dma_wait3A_84 = tpu.memref_slice %arg6[%dma_wait3A_82, %dma_wait3A_83] : memref<256x128xf32, #tpu.memory_space<vmem>> -> memref<128x128xf32, #tpu.memory_space<vmem>>
    tpu.wait_dma2 semaphore(%arg9 : memref<!tpu.dma_semaphore, #tpu.memory_space<semaphore_mem>>) src(%dma_wait3A_84 : memref<128x128xf32, #tpu.memory_space<vmem>>) dst(%dma_wait3A_81 : memref<128x128xf32, #tpu.memory_space<hbm>>)
    return
  }
}

module attributes {stable_mosaic.version = 14 : i64} {
  func.func @_tc_body(%arg0: i32, %arg1: i32, %arg2: memref<2048x128xf32, #tpu.memory_space<vmem>>, %arg3: memref<128x1024xf32, #tpu.memory_space<vmem>>, %arg4: memref<1x1024xf32, #tpu.memory_space<vmem>>, %arg5: memref<2048x1024xf32, #tpu.memory_space<vmem>>, %arg6: memref<2048x1xi32, #tpu.memory_space<vmem>>, %arg7: memref<2x1024xf32, #tpu.memory_space<vmem>>, %arg8: memref<2048x1024xf32, #tpu.memory_space<vmem>>) attributes {dimension_semantics = [#tpu.dimension_semantics<parallel>, #tpu.dimension_semantics<parallel>], iteration_bounds = array<i64: 1, 4>, scalar_prefetch = 0 : i64, scratch_operands = 0 : i64, tpu.core_type = #tpu.core_type<tc>, window_params = [{transform_indices = @transform_0, window_bounds = array<i64: 2048, 128>}, {pipeline_mode = #tpu.pipeline_mode<synchronous>, transform_indices = @transform_1, window_bounds = array<i64: 128, 1024>}, {pipeline_mode = #tpu.pipeline_mode<synchronous>, transform_indices = @transform_2, window_bounds = array<i64: 1, 1024>}, {transform_indices = @transform_3, window_bounds = array<i64: 2048, 1024>}, {transform_indices = @transform_4, window_bounds = array<i64: 2048, 1>}, {pipeline_mode = #tpu.pipeline_mode<synchronous>, transform_indices = @transform_5, window_bounds = array<i64: 2, 1024>}, {transform_indices = @transform_6, window_bounds = array<i64: 2048, 1024>}]} {
    %get3A = arith.constant 0 : index
    %get3A_0 = arith.constant 0 : index
    %get3A_1 = vector.load %arg2[%get3A, %get3A_0] : memref<2048x128xf32, #tpu.memory_space<vmem>>, vector<2048x128xf32>
    %get3A_2 = arith.constant 0 : index
    %get3A_3 = arith.constant 0 : index
    %get3A_4 = vector.load %arg3[%get3A_2, %get3A_3] : memref<128x1024xf32, #tpu.memory_space<vmem>>, vector<128x1024xf32>
    %dot_general3A = arith.constant dense<0.000000e+00> : vector<2048x1024xf32>
    %dot_general3A_5 = tpu.matmul %get3A_1, %get3A_4, %dot_general3A {dimension_numbers = #tpu.dot_dimension_numbers<[1], [0], [0], [1], [0, 0, 1, 1], [], []>, transpose_lhs_hint = false} : vector<2048x128xf32>, vector<128x1024xf32>, vector<2048x1024xf32> -> vector<2048x1024xf32>
    %get3A_6 = arith.constant 0 : index
    %get3A_7 = arith.constant 0 : index
    %get3A_8 = vector.load %arg7[%get3A_6, %get3A_7] : memref<2x1024xf32, #tpu.memory_space<vmem>>, vector<1x1024xf32>
    %get3A_9 = arith.constant 0 : index
    %get3A_10 = arith.constant 0 : index
    %get3A_11 = vector.load %arg4[%get3A_9, %get3A_10] : memref<1x1024xf32, #tpu.memory_space<vmem>>, vector<1x1024xf32>
    %add3A = arith.addf %get3A_11, %get3A_8 : vector<1x1024xf32>
    %get3A_12 = arith.constant 1 : index
    %get3A_13 = arith.constant 0 : index
    %get3A_14 = vector.load %arg7[%get3A_12, %get3A_13] : memref<2x1024xf32, #tpu.memory_space<vmem>>, vector<1x1024xf32>
    %sub3A = arith.subf %get3A_14, %get3A_8 : vector<1x1024xf32>
    %get3A_15 = arith.constant 0 : index
    %get3A_16 = arith.constant 0 : index
    %get3A_17 = vector.load %arg6[%get3A_15, %get3A_16] : memref<2048x1xi32, #tpu.memory_space<vmem>>, vector<2048x1xi32>
    %convert_element_type3A = arith.sitofp %get3A_17 : vector<2048x1xi32> to vector<2048x1xf32>
    %mul3A = vector.broadcast %convert_element_type3A : vector<2048x1xf32> to vector<2048x1024xf32>
    %mul3A_18 = vector.broadcast %sub3A : vector<1x1024xf32> to vector<2048x1024xf32>
    %mul3A_19 = arith.mulf %mul3A, %mul3A_18 : vector<2048x1024xf32>
    %add3A_20 = arith.addf %dot_general3A_5, %mul3A_19 : vector<2048x1024xf32>
    %get3A_21 = arith.constant 0 : index
    %get3A_22 = arith.constant 0 : index
    %get3A_23 = vector.load %arg5[%get3A_21, %get3A_22] : memref<2048x1024xf32, #tpu.memory_space<vmem>>, vector<2048x1024xf32>
    %add3A_24 = vector.broadcast %add3A : vector<1x1024xf32> to vector<2048x1024xf32>
    %add3A_25 = arith.addf %get3A_23, %add3A_24 : vector<2048x1024xf32>
    %add3A_26 = arith.addf %add3A_20, %add3A_25 : vector<2048x1024xf32>
    %swap3A = arith.constant 0 : index
    %swap3A_27 = arith.constant 0 : index
    %swap3A_28 = vector.load %arg8[%swap3A, %swap3A_27] : memref<2048x1024xf32, #tpu.memory_space<vmem>>, vector<2048x1024xf32>
    tpu.vector_store %arg8[%swap3A, %swap3A_27], %add3A_26 {strides = array<i32>} : memref<2048x1024xf32, #tpu.memory_space<vmem>>, vector<2048x1024xf32>,
    return
  }
  func.func @transform_0(%arg0: i32, %arg1: i32) -> (i32, i32) {
    %mul3A = arith.constant 1 : i32
    %mul3A_0 = arith.muli %arg1, %mul3A : i32
    %add3A = arith.addi %mul3A_0, %arg0 : i32
    %c0_i32 = arith.constant 0 : i32
    %c0_i32_1 = arith.constant 0 : i32
    return %add3A, %c0_i32 : i32, i32
  }
  func.func @transform_1(%arg0: i32, %arg1: i32) -> (i32, i32) {
    %c0_i32 = arith.constant 0 : i32
    %c0_i32_0 = arith.constant 0 : i32
    %c0_i32_1 = arith.constant 0 : i32
    return %c0_i32, %c0_i32_0 : i32, i32
  }
  func.func @transform_2(%arg0: i32, %arg1: i32) -> (i32, i32) {
    %c0_i32 = arith.constant 0 : i32
    %c0_i32_0 = arith.constant 0 : i32
    %c0_i32_1 = arith.constant 0 : i32
    return %c0_i32, %c0_i32_0 : i32, i32
  }
  func.func @transform_3(%arg0: i32, %arg1: i32) -> (i32, i32) {
    %c0_i32 = arith.constant 0 : i32
    %c0_i32_0 = arith.constant 0 : i32
    return %arg0, %c0_i32 : i32, i32
  }
  func.func @transform_4(%arg0: i32, %arg1: i32) -> (i32, i32) {
    %mul3A = arith.constant 1 : i32
    %mul3A_0 = arith.muli %arg1, %mul3A : i32
    %add3A = arith.addi %mul3A_0, %arg0 : i32
    %c0_i32 = arith.constant 0 : i32
    %c0_i32_1 = arith.constant 0 : i32
    return %add3A, %c0_i32 : i32, i32
  }
  func.func @transform_5(%arg0: i32, %arg1: i32) -> (i32, i32) {
    %c0_i32 = arith.constant 0 : i32
    %c0_i32_0 = arith.constant 0 : i32
    %c0_i32_1 = arith.constant 0 : i32
    return %c0_i32, %c0_i32_0 : i32, i32
  }
  func.func @transform_6(%arg0: i32, %arg1: i32) -> (i32, i32) {
    %mul3A = arith.constant 1 : i32
    %mul3A_0 = arith.muli %arg1, %mul3A : i32
    %add3A = arith.addi %mul3A_0, %arg0 : i32
    %c0_i32 = arith.constant 0 : i32
    %c0_i32_1 = arith.constant 0 : i32
    return %add3A, %c0_i32 : i32, i32
  }
}

</mosaic_0001>

<sc_bundles>
// kernel: kernel.4.cloned.1.call-start
scs
__scs_entry_jumppad:
0x0: {  	(pc) =	sbr.rel $0x88, $3  }
0x1: {  	(tag) =	ssettag $0x0;
	lr =	simm.s32 $0x1  }
0x2: {  	[smem:$0x3F9A] =	sst lr;
	_ =	strace $0xD0000000  }
0x3: {  	_ = 	snop  }
0x4: {  	_ = 	snop  }
0x5: {  	_ = 	snop  }
0x6: {  	_ = 	snop  }
0x7: {  	_ = 	snop  }
__scs_overlays_trampoline_lowered:
0x8: {  	[smem:$0x3FA9] =	sst s0  }
0x9: {  	[smem:$0x3FAA] =	sst s1  }
0xa: {  	[smem:$0x3FAB] =	sst s2  }
0xb: {  	[smem:$0x3FAC] =	sst s3  }
0xc: {  	[smem:$0x3FAD] =	sst s4  }
0xd: {  	[smem:$0x3FAE] =	sst s5  }
0xe: {  	[smem:$0x3FAF] =	sst s6  }
0xf: {  	[smem:$0x3FB0] =	sst s7  }
0x10: {  	[smem:$0x3FB1] =	sst s8  }
0x11: {  	[smem:$0x3FB2] =	sst s9;
	s0 =	simm.s32 @!p0 $0x0  }
0x12: {  	s1 =	sld [smem:$0x3F98];
	s0 =	simm.s32 @p0 $0x1  }
0x13: {  	[smem:$0x3FB3] =	sst s0;
	s0 =	simm.s32 @!p1 $0x0  }
0x14: {  	s2 =	sld [smem:$0x3F97];
	s0 =	simm.s32 @p1 $0x1  }
0x15: {  	[smem:$0x3FB4] =	sst s0;
	s0 =	simm.s32 @!p2 $0x0  }
0x16: {  	s3 =	sld [smem:$0x3FDB];
	s0 =	simm.s32 @p2 $0x1  }
0x17: {  	s4 =	simm.s32 $0x1BF5;
	[smem:$0x3FB6] =	sst s0  }
0x18: {  	s0 =	sld [smem:$0x3F99];
	_ =	swait.ge [sflag:s4], $0x0  }
0x19: {  	s7 =	sld [smem:$0x3F9A]  }
0x1a: {  	s8 =	sadd.s32 $0xFFFFE003, lr  }
0x1b: {  	s9 =	sadd.s32 $0xFFFFFEF7, lr;
	s5 =	simm.s32 $0xFFFFFFFF;
	p2 =	slt.u32 s8, $0xFFFFF086  }
0x1c: {  	p1 =	slt.u32 s9, $0xF7A;
	s5 =	simm.s32 @!p2 $0x0  }
0x1d: {  	s5 =	simm.s32 @p1 $0x1;
	p0 =	seq.s32 s7, s2  }
0x1e: {  	s7 =	smul.u32 @!p0 $0xF7A, s2;
	p2 =	seq.s32 @!p0 s5, $0x0  }
0x1f: {  	s9 =	smul.u32 $0xF7A, s1;
	s8 =	simm.s32 @!p0 $0x1BF5;
	p2 =	por !p2, p0  }
0x20: {  	[sflag:s8] =	ssyncset.s32 @!p0 $0xFFFFF086;
	s6 =	sadd.s32 @!p0 s3, s7;
	s7 =	simm.s32 @!p0 $0x108  }
0x21: {  	s3 =	sadd.s32 s3, s9;
	s6 =	sadd.s32 @!p0 $0x88, s6;
	s7 =	simm.s32 @p2 $0x1082  }
0x22: {  	[simem:s7], [sflag:s8] =	dma.local @!p0 [hbm:s6], $0xF7A  }
0x23: {  	s9 =	sor.u32 $0xD0000000, s2;
	s6 =	simm.s32 $0x108;
	_ =	swait.ge @!p0 [sflag:s8], $0x0  }
0x24: {  	s3 =	sadd.s32 $0x88, s3;
	s6 =	simm.s32 @!p1 $0x1082;
	[sflag:s4] =	ssyncset.s32 $0xFFFFF086  }
0x25: {  	[simem:s6], [sflag:s4] =	dma.local [hbm:s3], $0xF7A  }
0x26: {  	[smem:$0x3F9A] =	sst s1;
	(tag) =	ssettag s2;
	_ =	strace s9  }
0x27: {  	s1 =	sld [smem:$0x3FAA]  }
0x28: {  	s2 =	sld [smem:$0x3FAB]  }
0x29: {  	s4 =	sld [smem:$0x3FAD]  }
0x2a: {  	p0 =	seq.s32 s5, $0x0;
	s5 =	sld [smem:$0x3FAE]  }
0x2b: {  	s6 =	sld [smem:$0x3FAF]  }
0x2c: {  	s7 =	sld [smem:$0x3FB0]  }
0x2d: {  	s3 =	simm.s32 $0x108;
	s8 =	sld [smem:$0x3FB1]  }
0x2e: {  	s3 =	simm.s32 @!p0 $0x1082;
	s9 =	sld [smem:$0x3FB2]  }
0x2f: {  	lr =	sadd.s32 s0, s3;
	s0 =	sld [smem:$0x3FA9]  }
0x30: {  	s3 =	sld [smem:$0x3FAC]  }
0x31: {  	[smem:$0x3FB5] =	sst s10  }
0x32: {  	s10 =	sld [smem:$0x3FB3];
	_ =	sdelay $0x3  }
0x33: {  	p0 =	seq.s32 s10, $0x1;
	s10 =	sld [smem:$0x3FB5];
	_ =	sdelay $0x3  }
0x34: {  	[smem:$0x3FB5] =	sst s10  }
0x35: {  	s10 =	sld [smem:$0x3FB4];
	_ =	sdelay $0x3  }
0x36: {  	p1 =	seq.s32 s10, $0x1;
	s10 =	sld [smem:$0x3FB5];
	_ =	sdelay $0x3  }
0x37: {  	[smem:$0x3FB5] =	sst s10  }
0x38: {  	s10 =	sld [smem:$0x3FB6]  }
0x39: {  	_ = 	snop;
	(pc) =	sbr.ind lr, $3  }
0x3a: {  	_ = 	snop  }
0x3b: {  	_ = 	snop  }
0x3c: {  	p2 =	seq.s32 s10, $0x1;
	s10 =	sld [smem:$0x3FB5]  }
0x3d: {  	_ =	shalt  }
0x3e: {  	_ =	shalt  }
0x3f: {  	_ =	shalt  }
0x40: {  	_ =	shalt  }
0x41: {  	_ =	shalt  }
0x42: {  	_ =	shalt  }
0x43: {  	_ =	shalt  }
0x44: {  	_ =	shalt  }
0x45: {  	_ =	shalt  }
0x46: {  	_ =	shalt  }
0x47: {  	_ =	shalt  }
0x48: {  	_ =	shalt  }
0x49: {  	_ =	shalt  }
0x4a: {  	_ =	shalt  }
0x4b: {  	_ =	shalt  }
0x4c: {  	_ =	shalt  }
0x4d: {  	_ =	shalt  }
0x4e: {  	_ =	shalt  }
0x4f: {  	_ =	shalt  }
0x50: {  	_ =	shalt  }
0x51: {  	_ =	shalt  }
0x52: {  	_ =	shalt  }
0x53: {  	_ =	shalt  }
0x54: {  	_ =	shalt  }
0x55: {  	_ =	shalt  }
0x56: {  	_ =	shalt  }
0x57: {  	_ =	shalt  }
0x58: {  	_ =	shalt  }
0x59: {  	_ =	shalt  }
0x5a: {  	_ =	shalt  }
0x5b: {  	_ =	shalt  }
0x5c: {  	_ =	shalt  }
0x5d: {  	_ =	shalt  }
0x5e: {  	_ =	shalt  }
0x5f: {  	_ =	shalt  }
0x60: {  	_ =	shalt  }
0x61: {  	_ =	shalt  }
0x62: {  	_ =	shalt  }
0x63: {  	_ =	shalt  }
0x64: {  	_ =	shalt  }
0x65: {  	_ =	shalt  }
0x66: {  	_ =	shalt  }
0x67: {  	_ =	shalt  }
0x68: {  	_ =	shalt  }
0x69: {  	_ =	shalt  }
0x6a: {  	_ =	shalt  }
0x6b: {  	_ =	shalt  }
0x6c: {  	_ =	shalt  }
0x6d: {  	_ =	shalt  }
0x6e: {  	_ =	shalt  }
0x6f: {  	_ =	shalt  }
0x70: {  	_ =	shalt  }
0x71: {  	_ =	shalt  }
0x72: {  	_ =	shalt  }
0x73: {  	_ =	shalt  }
0x74: {  	_ =	shalt  }
0x75: {  	_ =	shalt  }
0x76: {  	_ =	shalt  }
0x77: {  	_ =	shalt  }
0x78: {  	_ =	shalt  }
0x79: {  	_ =	shalt  }
0x7a: {  	_ =	shalt  }
0x7b: {  	_ =	shalt  }
0x7c: {  	_ =	shalt  }
0x7d: {  	_ =	shalt  }
0x7e: {  	_ =	shalt  }
0x7f: {  	_ =	shalt  }
0x80: {  	_ =	shalt  }
0x81: {  	_ =	shalt  }
0x82: {  	_ =	shalt  }
0x83: {  	_ =	shalt  }
0x84: {  	_ =	shalt  }
0x85: {  	_ =	shalt  }
0x86: {  	_ =	shalt  }
0x87: {  	_ =	shalt  }
.Lfunc_end0:
.L_simem_size_0:
called_computation_lowered:
.L_overlay_start_0:
0x88: {  	s2 =	sld [smem:$0x3FD9]  }
0x89: {  	s3 =	sld [smem:$0x3FFE];
	_ =	sdelay $0x1  }
0x8a: {  	s1 =	srdreg.scid  }
0x8b: {  	s0 =	sand.u32 $0x1, s1  }
0x8c: {  	s17 =	sshll.u32 s0, $0xA;
	s2 =	sadd.s32 s3, s2  }
0x8d: {  	s2 =	sadd.s32 s2, s17  }
0x8e: {  	[smem:$0x3FC1] =	sst s2  }
0x8f: {  	_ = 	snop  }
0x90: {  	s2 =	sld [smem:$0x3FC7]  }
0x91: {  	s18 =	sld [smem:$0x3FD0];
	(tm) =	ssettm $0x1  }
0x92: {  	s4 =	sld [smem:$0x3FFB];
	_ =	sdelay $0x3  }
0x93: {  	_ =	strace s4  }
0x94: {  	s4 =	sld [smem:$0x3FFC];
	_ =	sdelay $0x3  }
0x95: {  	_ =	strace s4  }
0x96: {  	s4 =	sld [smem:$0x3FFD];
	_ =	sdelay $0x3  }
0x97: {  	_ =	strace s4  }
0x98: {  	_ =	strace $0x8FFFFFFF  }
0x99: {  	s19 =	sld [smem:$0x3FDB];
	_ =	sdelay $0x1  }
0x9a: {  	s5 =	simm.s32 $_scs_section_size  }
0x9b: {  	s6 =	simm.s32 $_size__tile_overlayer_lowered;
	s7 =	simm.s32 $_tile_overlayer_lowered  }
0x9c: {  	s22 =	simm.s32 $0x1BFF;
	s21 =	sshll.u32 s7, $0x1;
	s4 =	sadd.s32 s5, s19  }
0x9d: {  	s8 =	simm.s32 $0x0;
	s20 =	sshll.u32 s6, $0x1;
	s6 =	sadd.s32 s21, s4  }
0x9e: {  	[timem:s8], [sflag:s22] =	dma.local [hbm:s6], s20  }
0x9f: {  	_ =	swait.ge [sflag:s22], s20  }
0xa0: {  	s5 =	ssub.s32 $0x0, s20;
	[sflag:s22] =	ssyncset.done $0x0  }
0xa1: {  	[sflag:s22] =	ssyncadd.s32 s5;
	_ =	sdelay $0x1  }
0xa2: {  	s23 =	simm.s32 $0x1B8B  }
0xa3: {  	_ =	swait.ge [sflag:s23], $0x1  }
0xa4: {  	[sflag:s23] =	ssyncset.done $0x0  }
0xa5: {  	s25 =	simm.s32 $0x1B8E;
	s24 =	sld [smem:$0x3FFE];
	[sflag:s23] =	ssyncadd.s32 $0xFFFFFFFF  }
0xa6: {  	s26 =	simm.s32 $execute0_lowered;
	[smem:$0x3FD2] =	sst s25  }
0xa7: {  	s6 =	sshll.u32 s26, $0x1;
	_ =	strace $0x80000046;
	[dreg:$0x1] =	wrdreg $0xFFFFFFFF  }
0xa8: {  	s28 =	simm.s32 $_size_execute0_lowered;
	s4 =	sadd.s32 s4, s6;
	[dreg:$0x0] =	wrdreg $0x0  }
0xa9: {  	s6 =	sshll.u32 s28, $0x1;
	[dreg:$0x2] =	wrdreg s4  }
0xaa: {  	[dreg:$0x3] =	wrdreg s6  }
0xab: {  	[dreg:$0x4] =	wrdreg $0xC0  }
0xac: {  	_ =	task [dreg:s8], $0x5FFFF  }
0xad: {  	[dreg:$0x1] =	wrdreg $0xFFFFFFFF  }
0xae: {  	[dreg:$0x0] =	wrdreg $0x60  }
0xaf: {  	[dreg:$0x2] =	wrdreg s2  }
0xb0: {  	[dreg:$0x3] =	wrdreg s24  }
0xb1: {  	[dreg:$0x4] =	wrdreg s18  }
0xb2: {  	[dreg:$0x5] =	wrdreg $0x9  }
0xb3: {  	_ =	task.clear_ibuf [dreg:s8], $0x6FFFF;
	_ =	strace $0x90000046  }
0xb4: {  	s29 =	simm.s32 $0x9;
	_ =	strace $0x80000048  }
0xb5: {  	_ =	swait.ge [sflag:s29], $0x1  }
0xb6: {  	[sflag:s29] =	ssyncadd.s32 $0xFFFFFFFF  }
0xb7: {  	_ =	strace $0x90000048  }
0xb8: {  	_ =	sfence  }
0xb9: {  	s30 =	sld [smem:$0x0];
	_ =	sdelay $0x2  }
0xba: {  	s31 =	sshll.u32 s1, $0xD;
	s1 =	sshrl.u32 s1, $0x2  }
0xbb: {  	s3 =	sand.u32 $0x4000, s31;
	s1 =	sadd.s32 s1, s30  }
0xbc: {  	s0 =	sor.u32 s3, s0;
	s1 =	sshll.u32 s1, $0x11  }
0xbd: {  	s0 =	sor.u32 s1, s0  }
0xbe: {  	s0 =	sadd.s32 $0x8F2B, s0  }
0xbf: {  	[sflag:s0] =	ssyncadd.remote.s32 $0x1  }
0xc0: {  	_ =	sfence.sel $0xFFFF  }
0xc1: {  	[dreg:$0x0] =	wrdreg $0xFFFFFFFF;
	(pc) =	sbr.abs _section_cstart, $3  }
0xc2: {  	[dreg:$0x1] =	wrdreg $0xFFFFFFFF  }
0xc3: {  	_ =	task.clear_ibuf [dreg:s8], $0x2FFFF;
	_ =	strace $0x9FFFFFFF  }
0xc4: {  	(tm) =	ssettm $0x7FFFFFFF  }
0xc5: {  	_ =	shalt  }
tec
execute0_lowered:
.L_overlay_start_1:
0x0: {  	(tag) =	ssettag $0x1  }
0x1: {  	s1 =	rddreg [dreg:$0x0]  }
0x2: {  	s2 =	srdreg.scid;
	s0 =	stileid.u32  }
0x3: {  	s4 =	rddreg [dreg:$0x1];
	s12 =	sand.u32 $0x1, s2;
	s31 =	sshll.u32 s0, $0x1  }
0x4: {  	s10 =	rddreg [dreg:$0x2];
	s11 =	sor.u32 s12, s31  }
0x5: {  	s3 =	simm.s32 $0x0;
	s2 =	rddreg [dreg:$0x3];
	s5 =	sshll.u32 s11, $0x5  }
0x6: {  	[smem:$0x7FF] =	sst s3;
	s4 =	sadd.s32 s5, s4  }
0x7: {  	_ =	strace $0x80000047;
	s5 =	simm.s32 $0x4;
	s4 =	sadd.s32 $0x1600, s4  }
0x8: {  	[tilespmem:s3], [sflag:$0x4] =	stream.linear.gather [hbm4b:s4+s3], $0x100, $0x38;
	[tilespmem:$0x8100] =	vst v63  }
0x9: {  	_ =	swait.ge [sflag:s5], $0x100  }
0xa: {  	[sflag:s5] =	ssyncset.done $0x0  }
0xb: {  	s6 =	simm.s32 $0x80;
	s7 =	simm.s32 $0x100;
	[sflag:s5] =	ssyncadd.s32 $0xFFFFFF00  }
0xc: {  	[tilespmem:s7], [sflag:$0x1] =	stream.indirect.gather [hbm4b:s1+s6], $0x80, s3, s6, $0xb8;
	[tilespmem:$0x8100] =	vst v63  }
0xd: {  	s8 =	simm.s32 $0x4100;
	s9 =	simm.s32 $0x1  }
0xe: {  	[tilespmem:s8], [sflag:$0x2] =	stream.indirect.gather [hbm4b:s1+s6], $0x80, s6, s6, $0xb8;
	[tilespmem:$0x8100] =	vst v63  }
0xf: {  	s14 =	ssub.s32 $0x2, s12;
	_ =	swait.ge [sflag:s9], $0x4000  }
0x10: {  	s11 =	sshll.u32 s11, $0xC;
	s15 =	sshrl.u32 s14, $0x1;
	[sflag:s9] =	ssyncset.done $0x0  }
0x11: {  	s10 =	sadd.s32 s10, s11;
	s11 =	simm.s32 $0x2;
	[sflag:s9] =	ssyncadd.s32 $0xFFFFC000  }
0x12: {  	[hbm4b:s10+s3] =	stream.linear.scatter [tilespmem:s7], [sflag:$0x3], $0x4000, $0x38;
	[tilespmem:$0x8100] =	vst v63  }
0x13: {  	s14 =	ssub.s32 s14, s15;
	_ =	swait.ge [sflag:s11], $0x4000  }
0x14: {  	s12 =	simm.s32 $0x3;
	s14 =	smax.u32 s14, $0x1;
	[sflag:s11] =	ssyncset.done $0x0  }
0x15: {  	s13 =	sadd.s32 $0x800, s10;
	p0 =	sne.s32 s14, $0x1;
	[sflag:s11] =	ssyncadd.s32 $0xFFFFC000  }
0x16: {  	[hbm4b:s13+s3] =	stream.linear.scatter [tilespmem:s8], [sflag:$0x3], $0x4000, $0x38;
	[tilespmem:$0x8100] =	vst v63  }
.Ltmp0:
0x17: {  	_ =	swait.ge [sflag:s12], $0x4000;
	(pc) =	sbr.rel @!p0 .LBB2_2-.Ltmp0, $4  }
0x18: {  	[sflag:s12] =	ssyncset.done $0x0  }
0x19: {  	[sflag:s12] =	ssyncadd.s32 $0xFFFFC000  }
0x1a: {  	_ =	swait.ge [sflag:s12], $0x4000  }
0x1b: {  	s14 =	sadd.s32 $0xFFFFFFFF, s14;
	[sflag:s12] =	ssyncset.done $0x0  }
.LBB2_1:
0x1c: {  	p0 =	sne.s32 s14, $0x1;
	s14 =	sadd.s32 $0xFFFFFFFF, s14;
	[sflag:s12] =	ssyncadd.s32 $0xFFFFC000  }
0x1d: {  	[tilespmem:s3], [sflag:$0x4] =	stream.linear.gather [hbm4b:s4+s3], $0x100, $0x38;
	[tilespmem:$0x8100] =	vst v63  }
0x1e: {  	_ =	swait.ge [sflag:s5], $0x100  }
0x1f: {  	[sflag:s5] =	ssyncset.done $0x0  }
0x20: {  	[sflag:s5] =	ssyncadd.s32 $0xFFFFFF00  }
0x21: {  	[tilespmem:s7], [sflag:$0x1] =	stream.indirect.gather [hbm4b:s1+s6], $0x80, s3, s6, $0xb8;
	[tilespmem:$0x8100] =	vst v63  }
0x22: {  	_ = 	snop  }
0x23: {  	[tilespmem:s8], [sflag:$0x2] =	stream.indirect.gather [hbm4b:s1+s6], $0x80, s6, s6, $0xb8;
	[tilespmem:$0x8100] =	vst v63  }
0x24: {  	_ =	swait.ge [sflag:s9], $0x4000  }
0x25: {  	[sflag:s9] =	ssyncset.done $0x0  }
0x26: {  	[sflag:s9] =	ssyncadd.s32 $0xFFFFC000  }
0x27: {  	[hbm4b:s10+s3] =	stream.linear.scatter [tilespmem:s7], [sflag:$0x3], $0x4000, $0x38;
	[tilespmem:$0x8100] =	vst v63  }
0x28: {  	_ =	swait.ge [sflag:s11], $0x4000  }
0x29: {  	[sflag:s11] =	ssyncset.done $0x0  }
0x2a: {  	[sflag:s11] =	ssyncadd.s32 $0xFFFFC000  }
0x2b: {  	[hbm4b:s13+s3] =	stream.linear.scatter [tilespmem:s8], [sflag:$0x3], $0x4000, $0x38;
	[tilespmem:$0x8100] =	vst v63  }
.Ltmp1:
0x2c: {  	_ =	swait.ge [sflag:s12], $0x4000;
	(pc) =	sbr.rel @p0 .LBB2_1-.Ltmp1, $4  }
0x2d: {  	[sflag:s12] =	ssyncset.done $0x0  }
0x2e: {  	[sflag:s12] =	ssyncadd.s32 $0xFFFFC000  }
0x2f: {  	_ =	swait.ge [sflag:s12], $0x4000  }
0x30: {  	[sflag:s12] =	ssyncset.done $0x0  }
.LBB2_2:
0x31: {  	[sflag:s12] =	ssyncadd.s32 $0xFFFFC000  }
0x32: {  	_ =	sfence.sel $0x180000  }
0x33: {  	[bflag:$0x0] =	sbarrier.arrive $0xFFFF  }
0x34: {  	p0 =	sne.s32 s0, $0x0;
	_ =	strace $0x90000047  }
0x35: {  	s0 =	sadd.s32 @!p0 $0x100000, s2;
	[bflag:$0x2] =	sbarrier.arrive $0xFFFF  }
0x36: {  	[sflag:s0] =	ssyncadd.tile.s32 @!p0 $0x1;
	_ =	shalt  }
.Lfunc_end2:
_tile_overlayer_lowered:
.L_overlay_start_2:
0x37: {  	(tag) =	ssettag $0x2  }
0x38: {  	s0 =	rddreg [dreg:$0x0];
	s2 =	stileid.u32  }
0x39: {  	s1 =	rddreg [dreg:$0x1];
	p0 =	sne.s32 s2, $0x0  }
0x3a: {  	s3 =	rddreg [dreg:$0x2];
	[bflag:$0x3] =	sbarrier.arrive $0xFFFF;
	s2 =	simm.s32 @!p0 $0x1C04  }
0x3b: {  	[timem:s3], [sflag:s2] =	dma.local @!p0 [hbm:s0], s1  }
0x3c: {  	s0 =	simm.s32 @!p0 $0x4  }
0x3d: {  	_ =	swait.ge @!p0 [sflag:s0], s1  }
0x3e: {  	s1 =	ssub.s32 @!p0 $0x0, s1;
	[sflag:s0] =	ssyncset.done @!p0 $0x0  }
0x3f: {  	[sflag:s0] =	ssyncadd.s32 @!p0 s1  }
0x40: {  	[bflag:$0x3] =	sbarrier.arrive $0xFFFF  }
0x41: {  	_ =	shalt  }

</sc_bundles>
